<compile_context>
chip_gen: v7x
topology: tpu7x:2x2x1
jax: 0.10.2.dev20260603
libtpu: 0.0.44.dev20260713+nightly
codegen_flags: <defaults>
</compile_context>

<pallas_src>
import functools

import jax
import jax.numpy as jnp
from jax import lax
from jax.experimental import pallas as pl
from jax.experimental.pallas import tpu as pltpu
from jax.experimental.pallas import tpu_sc as plsc

PH = 16
DH = 1024
NROWS = PH * PH
D = 2 * DH
NC = 2
HALF = NROWS // NC
NGRP = HALF // PH

_mesh = plsc.ScalarSubcoreMesh(axis_name="c", num_cores=NC)


@functools.partial(
    pl.kernel,
    mesh=_mesh,
    out_type=jax.ShapeDtypeStruct((NROWS, D), jnp.float32),
    scratch_types=[
        pltpu.MemorySpace.VMEM_SHARED((PH, DH), jnp.float32),
        pltpu.MemorySpace.VMEM_SHARED((PH, DH), jnp.float32),
        pltpu.MemorySpace.VMEM_SHARED((HALF, D), jnp.float32),
        pltpu.SemaphoreType.DMA,
        pltpu.SemaphoreType.DMA,
    ],
)
def _spatial_pos_enc(
    row_hbm, col_hbm, out_hbm, row_sp, col_sp, drain_sp, sem_i, sem_o
):
    half = lax.axis_index("c")
    r0 = half * HALF
    i0 = half * NGRP

    in_c = pltpu.async_copy(col_hbm, col_sp, sem_i)
    in_r = pltpu.async_copy(row_hbm, row_sp, sem_i)

    in_c.wait()

    def colg(g, carry):
        pltpu.async_copy(
            col_sp, out_hbm.at[pl.ds(r0 + g * PH, PH), pl.ds(DH, DH)], sem_o
        )
        return carry

    lax.fori_loop(0, NGRP, colg, 0)

    in_r.wait()

    def rowt(t, carry):
        pltpu.async_copy(
            row_sp.at[pl.ds(i0 + t // PH, 1)],
            out_hbm.at[pl.ds(r0 + t, 1), pl.ds(0, DH)],
            sem_o,
        )
        return carry

    lax.fori_loop(0, HALF, rowt, 0)

    pltpu.make_async_copy(out_hbm.at[pl.ds(r0, HALF)], drain_sp, sem_o).wait()


def kernel(row_embed, col_embed):
    return _spatial_pos_enc(row_embed, col_embed)

# --- scband reference (transcript-rebuilt; emitter-appended) ---
"""Pipeline reference for scband-spatial-pos-encoding-6777458393195 (READ-ONLY COPY).

The authoritative reference and input builder live on the scoring server;
editing this copy changes nothing except your own understanding.
"""

import jax, jax.numpy as jnp
import numpy as np

FRAME_SIZE = 64
PATCH_SIZE = 4
PH = FRAME_SIZE // PATCH_SIZE  # 16
NUM_PATCHES = PH * PH  # 256
D_MODEL = 2048


def setup_inputs(seed: int = 0) -> dict:
    key = jax.random.key(seed)
    k1, k2 = jax.random.split(key)
    row_embed = jax.random.normal(k1, (PH, D_MODEL // 2), dtype=jnp.float32)
    col_embed = jax.random.normal(k2, (PH, D_MODEL // 2), dtype=jnp.float32)
    return {"row_embed": row_embed, "col_embed": col_embed}


def reference(row_embed, col_embed):
    ph = pw = PH
    rows = jnp.arange(ph)
    cols = jnp.arange(pw)
    # embedding lookups (gather)
    r_emb = jnp.take(row_embed, rows, axis=0)  # [ph, d/2]
    c_emb = jnp.take(col_embed, cols, axis=0)  # [pw, d/2]
    r_emb = jnp.broadcast_to(r_emb[:, None, :], (ph, pw, row_embed.shape[-1]))
    c_emb = jnp.broadcast_to(c_emb[None, :, :], (ph, pw, col_embed.shape[-1]))
    out = jnp.concatenate([r_emb, c_emb], axis=-1)  # [ph, pw, d]
    return out.reshape(NUM_PATCHES, -1)

if __name__ == "__main__":
    import jax
    _d = setup_inputs()
    print(jax.jit(kernel)(*tuple(_d.values())))

</pallas_src>

<mosaic_0001>
#map = affine_map<(d0) -> (0, 0)>
module attributes {stable_mosaic.version = 14 : i64} {
  func.func @_spatial_pos_enc(%arg0: i32, %arg1: memref<16x1024xf32, #tpu.memory_space<hbm>>, %arg2: memref<16x1024xf32, #tpu.memory_space<hbm>>, %arg3: memref<256x2048xf32, #tpu.memory_space<hbm>>, %arg4: memref<16x1024xf32, #tpu.memory_space<vmem_shared>>, %arg5: memref<16x1024xf32, #tpu.memory_space<vmem_shared>>, %arg6: memref<128x2048xf32, #tpu.memory_space<vmem_shared>>, %arg7: memref<!tpu.dma_semaphore, #tpu.memory_space<semaphore_mem>>, %arg8: memref<!tpu.dma_semaphore, #tpu.memory_space<semaphore_mem>>) attributes {dimension_semantics = [#tpu.dimension_semantics<core_parallel>], iteration_bounds = array<i64: 2>, scalar_prefetch = 0 : i64, scratch_operands = 5 : i64, tpu.core_type = #tpu.core_type<sc_scalar_subcore>, window_params = [{transform_indices = #map}, {transform_indices = #map}, {transform_indices = #map}]} {
    %mul3A = arith.constant 128 : i32
    %mul3A_0 = arith.muli %arg0, %mul3A : i32
    %mul3A_1 = arith.constant 8 : i32
    %mul3A_2 = arith.muli %arg0, %mul3A_1 : i32
    tpu.enqueue_dma source(%arg2 : memref<16x1024xf32, #tpu.memory_space<hbm>>) target(%arg5 : memref<16x1024xf32, #tpu.memory_space<vmem_shared>>) target_semaphore(%arg7 : memref<!tpu.dma_semaphore, #tpu.memory_space<semaphore_mem>>)
    tpu.enqueue_dma source(%arg1 : memref<16x1024xf32, #tpu.memory_space<hbm>>) target(%arg4 : memref<16x1024xf32, #tpu.memory_space<vmem_shared>>) target_semaphore(%arg7 : memref<!tpu.dma_semaphore, #tpu.memory_space<semaphore_mem>>)
    tpu.wait_dma2 semaphore(%arg7 : memref<!tpu.dma_semaphore, #tpu.memory_space<semaphore_mem>>) src(%arg2 : memref<16x1024xf32, #tpu.memory_space<hbm>>) dst(%arg5 : memref<16x1024xf32, #tpu.memory_space<vmem_shared>>)
    %scan3A = arith.constant 0 : i32
    %scan3A_3 = arith.constant 0 : i32
    %scan3A_4 = arith.constant 8 : i32
    %scan3A_5 = arith.addi %scan3A_3, %scan3A_4 : i32
    %scan3A_6 = arith.constant 1 : i32
    scf.for %scan3A_15 = %scan3A_3 to %scan3A_5 step %scan3A_6  : i32 {
      %mul3A_16 = arith.constant 16 : i32
      %mul3A_17 = arith.muli %scan3A_15, %mul3A_16 : i32
      %add3A = arith.addi %mul3A_0, %mul3A_17 : i32
      %dma_start3A = arith.constant 1024 : i32
      %dma_start3A_18 = tpu.memref_slice %arg3[%add3A, %dma_start3A] : memref<256x2048xf32, #tpu.memory_space<hbm>> -> memref<16x1024xf32, #tpu.memory_space<hbm>>
      tpu.enqueue_dma source(%arg5 : memref<16x1024xf32, #tpu.memory_space<vmem_shared>>) target(%dma_start3A_18 : memref<16x1024xf32, #tpu.memory_space<hbm>>) target_semaphore(%arg8 : memref<!tpu.dma_semaphore, #tpu.memory_space<semaphore_mem>>)
    }
    %scan3A_7 = arith.constant 8 : i32
    tpu.wait_dma2 semaphore(%arg7 : memref<!tpu.dma_semaphore, #tpu.memory_space<semaphore_mem>>) src(%arg1 : memref<16x1024xf32, #tpu.memory_space<hbm>>) dst(%arg4 : memref<16x1024xf32, #tpu.memory_space<vmem_shared>>)
    %scan3A_8 = arith.constant 0 : i32
    %scan3A_9 = arith.constant 0 : i32
    %scan3A_10 = arith.constant 128 : i32
    %scan3A_11 = arith.addi %scan3A_9, %scan3A_10 : i32
    %scan3A_12 = arith.constant 1 : i32
    scf.for %scan3A_15 = %scan3A_9 to %scan3A_11 step %scan3A_12  : i32 {
      %jit3A = arith.constant 16 : i32
      %div3A = arith.divsi %scan3A_15, %jit3A : i32
      %sign3A = arith.constant 0 : i32
      %sign3A_16 = arith.cmpi sgt, %scan3A_15, %sign3A : i32
      %sign3A_17 = arith.extui %sign3A_16 : i1 to i32
      %sign3A_18 = arith.constant 0 : i32
      %sign3A_19 = arith.cmpi slt, %scan3A_15, %sign3A_18 : i32
      %sign3A_20 = arith.extui %sign3A_19 : i1 to i32
      %sign3A_21 = arith.subi %sign3A_17, %sign3A_20 : i32
      %sign3A_22 = arith.constant 0 : i32
      %sign3A_23 = arith.cmpi sgt, %jit3A, %sign3A_22 : i32
      %sign3A_24 = arith.extui %sign3A_23 : i1 to i32
      %sign3A_25 = arith.constant 0 : i32
      %sign3A_26 = arith.cmpi slt, %jit3A, %sign3A_25 : i32
      %sign3A_27 = arith.extui %sign3A_26 : i1 to i32
      %sign3A_28 = arith.subi %sign3A_24, %sign3A_27 : i32
      %ne3A = arith.cmpi ne, %sign3A_21, %sign3A_28 : i32
      %rem3A = arith.remsi %scan3A_15, %jit3A : i32
      %ne3A_29 = arith.constant 0 : i32
      %ne3A_30 = arith.cmpi ne, %rem3A, %ne3A_29 : i32
      %and3A = arith.andi %ne3A, %ne3A_30 : i1
      %sub3A = arith.constant 1 : i32
      %sub3A_31 = arith.subi %div3A, %sub3A : i32
      %select_n3A = arith.select %and3A, %sub3A_31, %div3A : i32
      %add3A = arith.addi %mul3A_2, %select_n3A : i32
      %add3A_32 = arith.addi %mul3A_0, %scan3A_15 : i32
      %dma_start3A = arith.constant 0 : i32
      %dma_start3A_33 = tpu.memref_slice %arg3[%add3A_32, %dma_start3A] : memref<256x2048xf32, #tpu.memory_space<hbm>> -> memref<1x1024xf32, #tpu.memory_space<hbm>>
      %dma_start3A_34 = arith.constant 0 : i32
      %dma_start3A_35 = tpu.memref_slice %arg4[%add3A, %dma_start3A_34] : memref<16x1024xf32, #tpu.memory_space<vmem_shared>> -> memref<1x1024xf32, #tpu.memory_space<vmem_shared>>
      tpu.enqueue_dma source(%dma_start3A_35 : memref<1x1024xf32, #tpu.memory_space<vmem_shared>>) target(%dma_start3A_33 : memref<1x1024xf32, #tpu.memory_space<hbm>>) target_semaphore(%arg8 : memref<!tpu.dma_semaphore, #tpu.memory_space<semaphore_mem>>)
    }
    %scan3A_13 = arith.constant 128 : i32
    %dma_wait3A = arith.constant 0 : i32
    %dma_wait3A_14 = tpu.memref_slice %arg3[%mul3A_0, %dma_wait3A] : memref<256x2048xf32, #tpu.memory_space<hbm>> -> memref<128x2048xf32, #tpu.memory_space<hbm>>
    tpu.wait_dma2 semaphore(%arg8 : memref<!tpu.dma_semaphore, #tpu.memory_space<semaphore_mem>>) src(%dma_wait3A_14 : memref<128x2048xf32, #tpu.memory_space<hbm>>) dst(%arg6 : memref<128x2048xf32, #tpu.memory_space<vmem_shared>>)
    return
  }
}

</mosaic_0001>

<sc_bundles>
// kernel: kernel.3.cloned.1.call-start
scs
__scs_entry_jumppad:
0x0: {  	(pc) =	sbr.rel $0x88, $3  }
0x1: {  	(tag) =	ssettag $0x0;
	lr =	simm.s32 $0x1  }
0x2: {  	[smem:$0x3F9F] =	sst lr;
	_ =	strace $0xD0000000  }
0x3: {  	_ = 	snop  }
0x4: {  	_ = 	snop  }
0x5: {  	_ = 	snop  }
0x6: {  	_ = 	snop  }
0x7: {  	_ = 	snop  }
__scs_overlays_trampoline_lowered:
0x8: {  	[smem:$0x3FAE] =	sst s0  }
0x9: {  	[smem:$0x3FAF] =	sst s1  }
0xa: {  	[smem:$0x3FB0] =	sst s2  }
0xb: {  	[smem:$0x3FB1] =	sst s3  }
0xc: {  	[smem:$0x3FB2] =	sst s4  }
0xd: {  	[smem:$0x3FB3] =	sst s5  }
0xe: {  	[smem:$0x3FB4] =	sst s6  }
0xf: {  	[smem:$0x3FB5] =	sst s7  }
0x10: {  	[smem:$0x3FB6] =	sst s8  }
0x11: {  	[smem:$0x3FB7] =	sst s9;
	s0 =	simm.s32 @!p0 $0x0  }
0x12: {  	s1 =	sld [smem:$0x3F9D];
	s0 =	simm.s32 @p0 $0x1  }
0x13: {  	[smem:$0x3FB8] =	sst s0;
	s0 =	simm.s32 @!p1 $0x0  }
0x14: {  	s2 =	sld [smem:$0x3F9C];
	s0 =	simm.s32 @p1 $0x1  }
0x15: {  	[smem:$0x3FB9] =	sst s0;
	s0 =	simm.s32 @!p2 $0x0  }
0x16: {  	s3 =	sld [smem:$0x3FDB];
	s0 =	simm.s32 @p2 $0x1  }
0x17: {  	s4 =	simm.s32 $0x1BF5;
	[smem:$0x3FBB] =	sst s0  }
0x18: {  	s0 =	sld [smem:$0x3F9E];
	_ =	swait.ge [sflag:s4], $0x0  }
0x19: {  	s7 =	sld [smem:$0x3F9F]  }
0x1a: {  	s8 =	sadd.s32 $0xFFFFE003, lr  }
0x1b: {  	s9 =	sadd.s32 $0xFFFFFEF7, lr;
	s5 =	simm.s32 $0xFFFFFFFF;
	p2 =	slt.u32 s8, $0xFFFFF086  }
0x1c: {  	p1 =	slt.u32 s9, $0xF7A;
	s5 =	simm.s32 @!p2 $0x0  }
0x1d: {  	s5 =	simm.s32 @p1 $0x1;
	p0 =	seq.s32 s7, s2  }
0x1e: {  	s7 =	smul.u32 @!p0 $0xF7A, s2;
	p2 =	seq.s32 @!p0 s5, $0x0  }
0x1f: {  	s9 =	smul.u32 $0xF7A, s1;
	s8 =	simm.s32 @!p0 $0x1BF5;
	p2 =	por !p2, p0  }
0x20: {  	[sflag:s8] =	ssyncset.s32 @!p0 $0xFFFFF086;
	s6 =	sadd.s32 @!p0 s3, s7;
	s7 =	simm.s32 @!p0 $0x108  }
0x21: {  	s3 =	sadd.s32 s3, s9;
	s6 =	sadd.s32 @!p0 $0x88, s6;
	s7 =	simm.s32 @p2 $0x1082  }
0x22: {  	[simem:s7], [sflag:s8] =	dma.local @!p0 [hbm:s6], $0xF7A  }
0x23: {  	s9 =	sor.u32 $0xD0000000, s2;
	s6 =	simm.s32 $0x108;
	_ =	swait.ge @!p0 [sflag:s8], $0x0  }
0x24: {  	s3 =	sadd.s32 $0x88, s3;
	s6 =	simm.s32 @!p1 $0x1082;
	[sflag:s4] =	ssyncset.s32 $0xFFFFF086  }
0x25: {  	[simem:s6], [sflag:s4] =	dma.local [hbm:s3], $0xF7A  }
0x26: {  	[smem:$0x3F9F] =	sst s1;
	(tag) =	ssettag s2;
	_ =	strace s9  }
0x27: {  	s1 =	sld [smem:$0x3FAF]  }
0x28: {  	s2 =	sld [smem:$0x3FB0]  }
0x29: {  	s4 =	sld [smem:$0x3FB2]  }
0x2a: {  	p0 =	seq.s32 s5, $0x0;
	s5 =	sld [smem:$0x3FB3]  }
0x2b: {  	s6 =	sld [smem:$0x3FB4]  }
0x2c: {  	s7 =	sld [smem:$0x3FB5]  }
0x2d: {  	s3 =	simm.s32 $0x108;
	s8 =	sld [smem:$0x3FB6]  }
0x2e: {  	s3 =	simm.s32 @!p0 $0x1082;
	s9 =	sld [smem:$0x3FB7]  }
0x2f: {  	lr =	sadd.s32 s0, s3;
	s0 =	sld [smem:$0x3FAE]  }
0x30: {  	s3 =	sld [smem:$0x3FB1]  }
0x31: {  	[smem:$0x3FBA] =	sst s10  }
0x32: {  	s10 =	sld [smem:$0x3FB8];
	_ =	sdelay $0x3  }
0x33: {  	p0 =	seq.s32 s10, $0x1;
	s10 =	sld [smem:$0x3FBA];
	_ =	sdelay $0x3  }
0x34: {  	[smem:$0x3FBA] =	sst s10  }
0x35: {  	s10 =	sld [smem:$0x3FB9];
	_ =	sdelay $0x3  }
0x36: {  	p1 =	seq.s32 s10, $0x1;
	s10 =	sld [smem:$0x3FBA];
	_ =	sdelay $0x3  }
0x37: {  	[smem:$0x3FBA] =	sst s10  }
0x38: {  	s10 =	sld [smem:$0x3FBB]  }
0x39: {  	_ = 	snop;
	(pc) =	sbr.ind lr, $3  }
0x3a: {  	_ = 	snop  }
0x3b: {  	_ = 	snop  }
0x3c: {  	p2 =	seq.s32 s10, $0x1;
	s10 =	sld [smem:$0x3FBA]  }
0x3d: {  	_ =	shalt  }
0x3e: {  	_ =	shalt  }
0x3f: {  	_ =	shalt  }
0x40: {  	_ =	shalt  }
0x41: {  	_ =	shalt  }
0x42: {  	_ =	shalt  }
0x43: {  	_ =	shalt  }
0x44: {  	_ =	shalt  }
0x45: {  	_ =	shalt  }
0x46: {  	_ =	shalt  }
0x47: {  	_ =	shalt  }
0x48: {  	_ =	shalt  }
0x49: {  	_ =	shalt  }
0x4a: {  	_ =	shalt  }
0x4b: {  	_ =	shalt  }
0x4c: {  	_ =	shalt  }
0x4d: {  	_ =	shalt  }
0x4e: {  	_ =	shalt  }
0x4f: {  	_ =	shalt  }
0x50: {  	_ =	shalt  }
0x51: {  	_ =	shalt  }
0x52: {  	_ =	shalt  }
0x53: {  	_ =	shalt  }
0x54: {  	_ =	shalt  }
0x55: {  	_ =	shalt  }
0x56: {  	_ =	shalt  }
0x57: {  	_ =	shalt  }
0x58: {  	_ =	shalt  }
0x59: {  	_ =	shalt  }
0x5a: {  	_ =	shalt  }
0x5b: {  	_ =	shalt  }
0x5c: {  	_ =	shalt  }
0x5d: {  	_ =	shalt  }
0x5e: {  	_ =	shalt  }
0x5f: {  	_ =	shalt  }
0x60: {  	_ =	shalt  }
0x61: {  	_ =	shalt  }
0x62: {  	_ =	shalt  }
0x63: {  	_ =	shalt  }
0x64: {  	_ =	shalt  }
0x65: {  	_ =	shalt  }
0x66: {  	_ =	shalt  }
0x67: {  	_ =	shalt  }
0x68: {  	_ =	shalt  }
0x69: {  	_ =	shalt  }
0x6a: {  	_ =	shalt  }
0x6b: {  	_ =	shalt  }
0x6c: {  	_ =	shalt  }
0x6d: {  	_ =	shalt  }
0x6e: {  	_ =	shalt  }
0x6f: {  	_ =	shalt  }
0x70: {  	_ =	shalt  }
0x71: {  	_ =	shalt  }
0x72: {  	_ =	shalt  }
0x73: {  	_ =	shalt  }
0x74: {  	_ =	shalt  }
0x75: {  	_ =	shalt  }
0x76: {  	_ =	shalt  }
0x77: {  	_ =	shalt  }
0x78: {  	_ =	shalt  }
0x79: {  	_ =	shalt  }
0x7a: {  	_ =	shalt  }
0x7b: {  	_ =	shalt  }
0x7c: {  	_ =	shalt  }
0x7d: {  	_ =	shalt  }
0x7e: {  	_ =	shalt  }
0x7f: {  	_ =	shalt  }
0x80: {  	_ =	shalt  }
0x81: {  	_ =	shalt  }
0x82: {  	_ =	shalt  }
0x83: {  	_ =	shalt  }
0x84: {  	_ =	shalt  }
0x85: {  	_ =	shalt  }
0x86: {  	_ =	shalt  }
0x87: {  	_ =	shalt  }
.Lfunc_end0:
.L_simem_size_0:
called_computation_lowered:
.L_overlay_start_0:
0x88: {  	s2 =	sld [smem:$0x3FD9]  }
0x89: {  	s3 =	sld [smem:$0x3FFE];
	_ =	sdelay $0x1  }
0x8a: {  	s1 =	srdreg.scid  }
0x8b: {  	s0 =	sand.u32 $0x1, s1  }
0x8c: {  	s14 =	sshll.u32 s0, $0xA;
	s2 =	sadd.s32 s3, s2  }
0x8d: {  	s2 =	sadd.s32 s2, s14  }
0x8e: {  	[smem:$0x3FC6] =	sst s2  }
0x8f: {  	_ = 	snop  }
0x90: {  	s15 =	sld [smem:$0x3FC9]  }
0x91: {  	s2 =	simm.s32 $0x0;
	s4 =	sld [smem:$0x3FC8]  }
0x92: {  	[smem:$0xF] =	sst s2  }
0x93: {  	s5 =	sld [smem:$0x3FD0];
	(tm) =	ssettm $0x1  }
0x94: {  	s6 =	sld [smem:$0x3FFB];
	_ =	sdelay $0x3  }
0x95: {  	_ =	strace s6  }
0x96: {  	s6 =	sld [smem:$0x3FFC];
	_ =	sdelay $0x3  }
0x97: {  	_ =	strace s6  }
0x98: {  	s6 =	sld [smem:$0x3FFD];
	_ =	sdelay $0x2  }
0x99: {  	s16 =	simm.s32 $0x1B8B  }
0x9a: {  	s17 =	simm.s32 $0x1B8E;
	s18 =	simm.s32 $0x9;
	_ =	strace s6  }
0x9b: {  	s7 =	simm.s32 $0x800;
	s9 =	simm.s32 $0x40;
	_ =	strace $0x8FFFFFFF  }
0x9c: {  	s10 =	simm.s32 $0x400;
	s8 =	sshll.u32 s0, $0xF;
	_ =	swait.ge [sflag:s16], $0x1  }
0x9d: {  	s26 =	sand.u32 $0x380, s2;
	s28 =	sand.u32 $0x7800, s2;
	[sflag:s16] =	ssyncset.done $0x0  }
0x9e: {  	s29 =	sand.u32 $0x70, s2;
	s3 =	sadd.s32 s8, s5;
	[sflag:s16] =	ssyncadd.s32 $0xFFFFFFFF  }
0x9f: {  	s5 =	sadd.s32 $0x400, s3;
	s19 =	sadd.s32 $0x1400, s3;
	[smem:$0x3FD2] =	sst s17  }
0xa0: {  	s20 =	sadd.s32 $0x2400, s3;
	s21 =	sadd.s32 $0x3400, s3;
	_ =	strace $0x80000046  }
0xa1: {  	[spmem:s7], [sflag:s18] =	dma.local [hbm:s4], $0x800  }
0xa2: {  	[spmem:s2], [sflag:s18] =	dma.local [hbm:s15], $0x800  }
0xa3: {  	s22 =	sadd.s32 $0x4400, s3;
	s23 =	sadd.s32 $0x5400, s3;
	_ =	swait.ge [sflag:s18], $0x800  }
0xa4: {  	s24 =	sadd.s32 $0x6400, s3;
	s25 =	sadd.s32 $0x7400, s3;
	[sflag:s18] =	ssyncset.done $0x0  }
0xa5: {  	s6 =	simm.s32 $0x1;
	s4 =	simm.s32 $0xA;
	[sflag:s18] =	ssyncadd.s32 $0xFFFFF800  }
0xa6: {  	[hbm:s5@s7], [sflag:s4] =	dma.strided [spmem:s7@s10], $0x800, s9, $0x10   }
0xa7: {  	[hbm:s19@s7], [sflag:s4] =	dma.strided [spmem:s7@s10], $0x800, s9, $0x10   }
0xa8: {  	[hbm:s20@s7], [sflag:s4] =	dma.strided [spmem:s7@s10], $0x800, s9, $0x10   }
0xa9: {  	[hbm:s21@s7], [sflag:s4] =	dma.strided [spmem:s7@s10], $0x800, s9, $0x10   }
0xaa: {  	[hbm:s22@s7], [sflag:s4] =	dma.strided [spmem:s7@s10], $0x800, s9, $0x10   }
0xab: {  	[hbm:s23@s7], [sflag:s4] =	dma.strided [spmem:s7@s10], $0x800, s9, $0x10   }
0xac: {  	[hbm:s24@s7], [sflag:s4] =	dma.strided [spmem:s7@s10], $0x800, s9, $0x10   }
0xad: {  	[hbm:s25@s7], [sflag:s4] =	dma.strided [spmem:s7@s10], $0x800, s9, $0x10   }
0xae: {  	s5 =	sshrl.u32 s8, $0x2;
	s8 =	sor.u32 s29, s28;
	_ =	swait.ge [sflag:s18], $0x800  }
0xaf: {  	s30 =	sadd.s32 s26, s5;
	s8 =	sadd.s32 s8, s3;
	[sflag:s18] =	ssyncset.done $0x0  }
0xb0: {  	s31 =	sshrl.u32 s30, $0x3;
	s7 =	simm.s32 $0x80;
	[sflag:s18] =	ssyncadd.s32 $0xFFFFF800  }
0xb1: {  	[hbm:s8@s7], [sflag:s4] =	dma.strided [spmem:s31@s7], $0x80, s6, $0x10   }
0xb2: {  	s9 =	simm.s32 $0x100;
	s8 =	simm.s32 $0x8  }
.LBB1_1:
0xb3: {  	s10 =	sand.u32 $0x380, s8  }
0xb4: {  	s11 =	sand.u32 $0x7800, s9;
	s2 =	sadd.s32 $0x10, s2;
	p0 =	sne.s32 s8, $0x3F8  }
.Ltmp0:
0xb5: {  	s8 =	sadd.s32 $0x8, s8;
	s12 =	sand.u32 $0x70, s2;
	(pc) =	sbr.rel @p0 .LBB1_1-.Ltmp0, $3  }
0xb6: {  	s10 =	sadd.s32 s10, s5;
	s11 =	sor.u32 s12, s11  }
0xb7: {  	s9 =	sadd.s32 $0x100, s9;
	s10 =	sshrl.u32 s10, $0x3;
	s11 =	sadd.s32 s11, s3  }
0xb8: {  	[hbm:s11@s7], [sflag:s4] =	dma.strided [spmem:s10@s7], $0x80, s6, $0x10   }
0xb9: {  	_ = 	snop  }
0xba: {  	s2 =	simm.s32 $0xA  }
0xbb: {  	_ =	swait.ge [sflag:s2], $0x8000  }
0xbc: {  	[sflag:s2] =	ssyncset.done $0x0  }
0xbd: {  	[sflag:s2] =	ssyncadd.s32 $0xFFFF8000  }
0xbe: {  	_ =	strace $0x90000046  }
0xbf: {  	_ =	sfence  }
0xc0: {  	s29 =	sld [smem:$0x0];
	_ =	sdelay $0x2  }
0xc1: {  	s3 =	sshll.u32 s1, $0xD;
	s30 =	sshrl.u32 s1, $0x2  }
0xc2: {  	s31 =	sand.u32 $0x4000, s3;
	s1 =	sadd.s32 s30, s29  }
0xc3: {  	s0 =	sor.u32 s31, s0;
	s1 =	sshll.u32 s1, $0x11  }
0xc4: {  	s0 =	sor.u32 s1, s0  }
0xc5: {  	s0 =	sadd.s32 $0x8F2B, s0;
	(pc) =	sbr.abs _section_cstart, $3  }
0xc6: {  	[sflag:s0] =	ssyncadd.remote.s32 $0x1  }
0xc7: {  	_ =	strace $0x9FFFFFFF  }
0xc8: {  	(tm) =	ssettm $0x7FFFFFFF  }
0xc9: {  	_ =	shalt  }

</sc_bundles>
